<compile_context>
chip_gen: v7x
topology: tpu7x:2x2x1
jax: 0.10.2.dev20260603
libtpu: 0.0.44.dev20260713+nightly
codegen_flags: <defaults>
</compile_context>

<pallas_src>
import functools
import jax
import jax.numpy as jnp
from jax.experimental import pallas as pl
from jax.experimental.pallas import tpu as pltpu
from jax.experimental.pallas import tpu_sc as plsc

N = 5000
NPAD = 5120
BLK = 128
NBLK = NPAD // BLK
ROWS = NPAD // BLK
NMS_THRESH = 0.5
TRACK_THRESH = 0.3
START_THRESH = 0.5
RESUME_THRESH = 0.4
NEG = -1e30


def _boost_kernel(scores_ref, ids_ref, active_ref, s_ref):
    ids = ids_ref[...]
    active = active_ref[...]
    mask = (ids[:, :, None] == active[0][None, None, :]).any(axis=2)
    s_ref[...] = scores_ref[...] + mask.astype(jnp.float32)


CW = 2560


def _nms_kernel(x1_ref, y1_ref, x2_ref, y2_ref, keep_ref):
    tr = jax.lax.broadcasted_iota(jnp.int32, (BLK, BLK), 1) < \
        jax.lax.broadcasted_iota(jnp.int32, (BLK, BLK), 0)
    ccol = jax.lax.broadcasted_iota(jnp.int32, (BLK, CW), 1)

    keep_ref[...] = jnp.ones((1, NPAD), dtype=jnp.int32)

    def body(bi, carry):
        st = bi * BLK
        bx1 = x1_ref[0, pl.ds(st, BLK)]
        by1 = y1_ref[0, pl.ds(st, BLK)]
        bx2 = x2_ref[0, pl.ds(st, BLK)]
        by2 = y2_ref[0, pl.ds(st, BLK)]
        barea = jnp.clip(bx2 - bx1, 0.0) * jnp.clip(by2 - by1, 0.0)

        def inner(cj, supp0):
            ct = cj * CW
            cx1 = x1_ref[0, pl.ds(ct, CW)]
            cy1 = y1_ref[0, pl.ds(ct, CW)]
            cx2 = x2_ref[0, pl.ds(ct, CW)]
            cy2 = y2_ref[0, pl.ds(ct, CW)]
            carea = jnp.clip(cx2 - cx1, 0.0) * jnp.clip(cy2 - cy1, 0.0)
            xx1 = jnp.maximum(bx1[:, None], cx1[None, :])
            yy1 = jnp.maximum(by1[:, None], cy1[None, :])
            xx2 = jnp.minimum(bx2[:, None], cx2[None, :])
            yy2 = jnp.minimum(by2[:, None], cy2[None, :])
            w = jnp.clip(xx2 - xx1, 0.0)
            h = jnp.clip(yy2 - yy1, 0.0)
            inter = w * h
            iou = inter / (barea[:, None] + carea[None, :] - inter + 1e-9)
            kcol = keep_ref[0, pl.ds(ct, CW)] != 0
            m = (iou > NMS_THRESH) & kcol[None, :] & ((ccol + ct) < st)
            return supp0 | jnp.any(m, axis=1).astype(jnp.int32)

        nch = (st + CW - 1) // CW
        supp0 = jax.lax.fori_loop(0, nch, inner,
                                  jnp.zeros((BLK,), dtype=jnp.int32))
        keepable = supp0 == 0

        bxx1 = jnp.maximum(bx1[:, None], bx1[None, :])
        byy1 = jnp.maximum(by1[:, None], by1[None, :])
        bxx2 = jnp.minimum(bx2[:, None], bx2[None, :])
        byy2 = jnp.minimum(by2[:, None], by2[None, :])
        binter = jnp.clip(bxx2 - bxx1, 0.0) * jnp.clip(byy2 - byy1, 0.0)
        biou = binter / (barea[:, None] + barea[None, :] - binter + 1e-9)
        adj_blk = biou > NMS_THRESH

        def w_cond(c):
            return c[1] > 0

        def w_body(c):
            k_cur, _ = c
            kb = k_cur != 0
            supp_in = jnp.any(adj_blk & tr & kb[None, :], axis=1)
            k_new = (keepable & jnp.logical_not(supp_in)).astype(jnp.int32)
            changed = jnp.max(jnp.abs(k_new - k_cur))
            return k_new, changed

        k_fin, _ = jax.lax.while_loop(
            w_cond, w_body, (keepable.astype(jnp.int32), jnp.int32(1)))
        keep_ref[0, pl.ds(st, BLK)] = k_fin
        return carry

    jax.lax.fori_loop(0, NBLK, body, 0)


NW = 16
EPW = NPAD // NW


def _sc_unsort_kernel(vals_hbm, idx_hbm, out_hbm, vals_v, idx_v, sem):
    wid = jax.lax.axis_index("s")
    base = wid * EPW
    pltpu.sync_copy(idx_hbm.at[pl.ds(base, EPW)], idx_v)
    pltpu.sync_copy(vals_hbm.at[pl.ds(base, EPW)], vals_v)
    pltpu.async_copy(vals_v, out_hbm.at[idx_v], sem).wait()


def _sc_unsort(vals, idx):
    mesh = plsc.VectorSubcoreMesh(core_axis_name="c", subcore_axis_name="s",
                                  num_cores=1)
    return pl.kernel(
        _sc_unsort_kernel,
        mesh=mesh,
        out_type=jax.ShapeDtypeStruct((NPAD,), jnp.int32),
        scratch_types=[
            pltpu.VMEM((EPW,), jnp.int32),
            pltpu.VMEM((EPW,), jnp.int32),
            pltpu.SemaphoreType.DMA,
        ],
    )(vals, idx)


def _post_kernel(x1_ref, y1_ref, x2_ref, y2_ref, s_ref, keep_ref, ids_ref,
                 dormant_ref, u_ref, sl_ref,
                 ox1_ref, oy1_ref, ox2_ref, oy2_ref, os_ref,
                 ids_out_ref, resume_ref):
    s = s_ref[...]
    keep = keep_ref[...] != 0
    ids = ids_ref[...]
    dormant = dormant_ref[...]

    s2 = jnp.where(s >= 2.0, s - 2.0, s)
    s2 = jnp.where(s2 >= 1.0, s2 - 1.0, s2)

    start_mask = (ids < 0) & (s2 >= START_THRESH) & keep
    max_id = jnp.max(ids)

    sm = start_mask.astype(jnp.bfloat16)
    u = u_ref[...].astype(jnp.bfloat16)
    rowcum = jax.lax.dot(sm, u, preferred_element_type=jnp.float32)
    row_tot = rowcum[:, BLK - 1:BLK]
    sl = sl_ref[...].astype(jnp.bfloat16)
    offs = jax.lax.dot(sl, row_tot.astype(jnp.bfloat16),
                       preferred_element_type=jnp.float32)
    cum = (rowcum + offs).astype(jnp.int32)

    new_ids = max_id + cum
    ids_mid = jnp.where(start_mask, new_ids, ids)

    dormant_mask = (ids_mid[:, :, None] == dormant[0][None, None, :]).any(axis=2)
    resume = dormant_mask & (s2 >= RESUME_THRESH) & keep
    inactive = (ids_mid >= 0) & (s2 < TRACK_THRESH) & keep
    ids_out = jnp.where(inactive, jnp.int32(-1), ids_mid)

    kf = keep.astype(jnp.float32)
    ox1_ref[...] = x1_ref[...] * kf
    oy1_ref[...] = y1_ref[...] * kf
    ox2_ref[...] = x2_ref[...] * kf
    oy2_ref[...] = y2_ref[...] * kf
    os_ref[...] = s2 * kf
    ids_out_ref[...] = ids_out
    resume_ref[...] = resume


@jax.jit
def kernel(boxes, scores, ids, active_ids, dormant_ids):
    f32 = jnp.float32
    pad = NPAD - N
    x1 = jnp.pad(boxes[:, 0], (0, pad)).reshape(ROWS, BLK)
    y1 = jnp.pad(boxes[:, 1], (0, pad)).reshape(ROWS, BLK)
    x2 = jnp.pad(boxes[:, 2], (0, pad)).reshape(ROWS, BLK)
    y2 = jnp.pad(boxes[:, 3], (0, pad)).reshape(ROWS, BLK)
    scores_p = jnp.pad(scores, (0, pad), constant_values=NEG).reshape(ROWS, BLK)
    ids_p = jnp.pad(ids, (0, pad), constant_values=-1).reshape(ROWS, BLK)

    s2d = pl.pallas_call(
        _boost_kernel,
        out_shape=jax.ShapeDtypeStruct((ROWS, BLK), f32),
    )(scores_p, ids_p, active_ids[None, :])
    s_flat = s2d.reshape(NPAD)

    neg_s = -s_flat
    iot = jax.lax.iota(jnp.int32, NPAD)
    _, xs1f, ys1f, xs2f, ys2f, order = jax.lax.sort(
        (neg_s, x1.reshape(NPAD), y1.reshape(NPAD),
         x2.reshape(NPAD), y2.reshape(NPAD), iot),
        num_keys=1, is_stable=True)
    xs1, ys1, xs2, ys2 = (xs1f[None, :], ys1f[None, :],
                          xs2f[None, :], ys2f[None, :])

    keep_sorted = pl.pallas_call(
        _nms_kernel,
        out_shape=jax.ShapeDtypeStruct((1, NPAD), jnp.int32),
    )(xs1, ys1, xs2, ys2)[0]

    keep = _sc_unsort(keep_sorted, order)

    u = (jax.lax.broadcasted_iota(jnp.int32, (BLK, BLK), 0) <=
         jax.lax.broadcasted_iota(jnp.int32, (BLK, BLK), 1)).astype(f32)
    sl = (jax.lax.broadcasted_iota(jnp.int32, (ROWS, ROWS), 0) >
          jax.lax.broadcasted_iota(jnp.int32, (ROWS, ROWS), 1)).astype(f32)

    outs = pl.pallas_call(
        _post_kernel,
        out_shape=[
            jax.ShapeDtypeStruct((ROWS, BLK), f32),
            jax.ShapeDtypeStruct((ROWS, BLK), f32),
            jax.ShapeDtypeStruct((ROWS, BLK), f32),
            jax.ShapeDtypeStruct((ROWS, BLK), f32),
            jax.ShapeDtypeStruct((ROWS, BLK), f32),
            jax.ShapeDtypeStruct((ROWS, BLK), jnp.int32),
            jax.ShapeDtypeStruct((ROWS, BLK), jnp.bool_),
        ],
    )(x1, y1, x2, y2, s2d, keep.reshape(ROWS, BLK), ids_p,
      dormant_ids[None, :], u, sl)
    ox1, oy1, ox2, oy2, os, ids_out, resume = [o.reshape(NPAD) for o in outs]

    out = jnp.stack([ox1, oy1, ox2, oy2, os], axis=1)[:N]
    return out, ids_out[:N], resume[:N]

# --- scband reference (transcript-rebuilt; emitter-appended) ---
"""Pipeline reference for scband-track-solver-orig-188978561535 (READ-ONLY COPY).

The authoritative reference and input builder live on the scoring server;
editing this copy changes nothing except your own understanding.
"""

import jax, jax.numpy as jnp
import numpy as np

N = 5000
NUM_IDS = 2000
NMS_THRESH = 0.5
TRACK_THRESH = 0.3
START_THRESH = 0.5
RESUME_THRESH = 0.4


def _isin(a, table):
    # membership test: a[i] in table
    return (a[:, None] == table[None, :]).any(axis=1)


def setup_inputs(seed: int = 0) -> dict:
    key = jax.random.key(seed)
    k1, k2, k3, k4, k5, k6 = jax.random.split(key, 6)
    # well-formed xyxy boxes in a 1000x1000 frame
    cxy = jax.random.uniform(k1, (N, 2), minval=0.0, maxval=1000.0)
    wh = jax.random.uniform(k2, (N, 2), minval=10.0, maxval=120.0)
    boxes = jnp.concatenate([cxy - wh / 2.0, cxy + wh / 2.0], axis=1).astype(jnp.float32)
    scores = jax.random.uniform(k3, (N,), dtype=jnp.float32)
    # ids: -1 means fresh detection, >=0 means track proposal
    ids = jax.random.randint(k4, (N,), -1, NUM_IDS, dtype=jnp.int32)
    active_ids = jax.random.randint(k5, (256,), 0, NUM_IDS, dtype=jnp.int32)
    dormant_ids = jax.random.randint(k6, (128,), 0, NUM_IDS, dtype=jnp.int32)
    return {"boxes": boxes, "scores": scores, "ids": ids,
            "active_ids": active_ids, "dormant_ids": dormant_ids}


def _nms_keep(boxes, s, thresh):
    n = boxes.shape[0]
    order = jnp.argsort(-s)
    b = boxes[order]
    areas = jnp.clip(b[:, 2] - b[:, 0], 0.0) * jnp.clip(b[:, 3] - b[:, 1], 0.0)
    idxv = jnp.arange(n)

    def body(i, suppressed):
        cur = suppressed[i]
        xx1 = jnp.maximum(b[i, 0], b[:, 0])
        yy1 = jnp.maximum(b[i, 1], b[:, 1])
        xx2 = jnp.minimum(b[i, 2], b[:, 2])
        yy2 = jnp.minimum(b[i, 3], b[:, 3])
        w = jnp.clip(xx2 - xx1, 0.0)
        h = jnp.clip(yy2 - yy1, 0.0)
        inter = w * h
        iou = inter / (areas[i] + areas - inter + 1e-9)
        supp = (iou > thresh) & (idxv > i) & (~cur)
        return suppressed | supp

    suppressed = jax.lax.fori_loop(0, n, body, jnp.zeros((n,), dtype=bool))
    keep = jnp.zeros((n,), dtype=bool).at[order].set(~suppressed)
    return keep


def reference(boxes, scores, ids, active_ids, dormant_ids):
    # 1) boost scores of detections belonging to active tracks
    active_mask = _isin(ids, active_ids)
    s = scores + active_mask.astype(scores.dtype)
    # 2) NMS on boosted scores (boxlist_nms)
    keep = _nms_keep(boxes, s, NMS_THRESH)
    # 3) score normalization from get_nms_boxes
    s2 = jnp.where(s >= 2.0, s - 2.0, s)
    s2 = jnp.where(s2 >= 1.0, s2 - 1.0, s2)
    # 4) start new tracks: ids<0 with high score get fresh ids
    start_mask = (ids < 0) & (s2 >= START_THRESH) & keep
    max_id = jnp.max(ids)
    new_ids = max_id + jnp.cumsum(start_mask.astype(ids.dtype))
    ids_out = jnp.where(start_mask, new_ids, ids)
    # 5) resume dormant tracks with sufficient score
    dormant_mask = _isin(ids_out, dormant_ids)
    resume_mask = dormant_mask & (s2 >= RESUME_THRESH) & keep
    # 6) suspend low-score tracked detections
    inactive = (ids_out >= 0) & (s2 < TRACK_THRESH) & keep
    ids_out = jnp.where(inactive, jnp.array(-1, ids_out.dtype), ids_out)
    # pack float outputs; suppressed boxes zeroed
    kf = keep.astype(boxes.dtype)
    out = jnp.concatenate([boxes * kf[:, None], (s2 * kf)[:, None]], axis=1)
    return out, ids_out, resume_mask


if False:  # reference __main__ guard neutralized (emitter)
    inp = setup_inputs()
    out = reference(**inp)
    print(out[0].shape, out[1].shape, out[2].shape)

if __name__ == "__main__":
    import jax
    _d = setup_inputs()
    print(jax.jit(kernel)(*tuple(_d.values())))

</pallas_src>

<mosaic_0001>
#map = affine_map<(d0, d1) -> (0)>
module attributes {stable_mosaic.version = 14 : i64} {
  func.func @_sc_unsort_kernel(%arg0: i32, %arg1: i32, %arg2: memref<5120xi32, #tpu.memory_space<hbm>>, %arg3: memref<5120xi32, #tpu.memory_space<hbm>>, %arg4: memref<5120xi32, #tpu.memory_space<hbm>>, %arg5: memref<320xi32, #tpu.memory_space<vmem>>, %arg6: memref<320xi32, #tpu.memory_space<vmem>>, %arg7: memref<!tpu.dma_semaphore, #tpu.memory_space<semaphore_mem>>) attributes {dimension_semantics = [#tpu.dimension_semantics<core_parallel>, #tpu.dimension_semantics<subcore_parallel>], iteration_bounds = array<i64: 1, 16>, scalar_prefetch = 0 : i64, scratch_operands = 3 : i64, tpu.core_type = #tpu.core_type<sc_vector_subcore>, window_params = [{transform_indices = #map}, {transform_indices = #map}, {transform_indices = #map}]} {
    %mul3A = arith.constant 320 : i32
    %mul3A_0 = arith.muli %arg1, %mul3A : i32
    "tpu.region"() ({
      %run_scoped3A = tpu.sem_alloc : memref<!tpu.dma_semaphore, #tpu.memory_space<semaphore_mem>>
      %dma_start3A_3 = tpu.memref_slice %arg3[%mul3A_0] : memref<5120xi32, #tpu.memory_space<hbm>> -> memref<320xi32, #tpu.memory_space<hbm>>
      %dma_start3A_4 = tpu.memref_slice %arg3[%mul3A_0] : memref<5120xi32, #tpu.memory_space<hbm>> -> memref<320xi32, #tpu.memory_space<hbm>>
      tpu.enqueue_dma source(%dma_start3A_4 : memref<320xi32, #tpu.memory_space<hbm>>) target(%arg6 : memref<320xi32, #tpu.memory_space<vmem>>) target_semaphore(%run_scoped3A : memref<!tpu.dma_semaphore, #tpu.memory_space<semaphore_mem>>)
      %dma_wait3A_5 = tpu.memref_slice %arg3[%mul3A_0] : memref<5120xi32, #tpu.memory_space<hbm>> -> memref<320xi32, #tpu.memory_space<hbm>>
      %dma_wait3A_6 = tpu.memref_slice %arg3[%mul3A_0] : memref<5120xi32, #tpu.memory_space<hbm>> -> memref<320xi32, #tpu.memory_space<hbm>>
      tpu.wait_dma2 semaphore(%run_scoped3A : memref<!tpu.dma_semaphore, #tpu.memory_space<semaphore_mem>>) src(%dma_wait3A_6 : memref<320xi32, #tpu.memory_space<hbm>>) dst(%arg6 : memref<320xi32, #tpu.memory_space<vmem>>)
      tpu.yield
    }) : () -> ()
    "tpu.region"() ({
      %run_scoped3A = tpu.sem_alloc : memref<!tpu.dma_semaphore, #tpu.memory_space<semaphore_mem>>
      %dma_start3A_3 = tpu.memref_slice %arg2[%mul3A_0] : memref<5120xi32, #tpu.memory_space<hbm>> -> memref<320xi32, #tpu.memory_space<hbm>>
      %dma_start3A_4 = tpu.memref_slice %arg2[%mul3A_0] : memref<5120xi32, #tpu.memory_space<hbm>> -> memref<320xi32, #tpu.memory_space<hbm>>
      tpu.enqueue_dma source(%dma_start3A_4 : memref<320xi32, #tpu.memory_space<hbm>>) target(%arg5 : memref<320xi32, #tpu.memory_space<vmem>>) target_semaphore(%run_scoped3A : memref<!tpu.dma_semaphore, #tpu.memory_space<semaphore_mem>>)
      %dma_wait3A_5 = tpu.memref_slice %arg2[%mul3A_0] : memref<5120xi32, #tpu.memory_space<hbm>> -> memref<320xi32, #tpu.memory_space<hbm>>
      %dma_wait3A_6 = tpu.memref_slice %arg2[%mul3A_0] : memref<5120xi32, #tpu.memory_space<hbm>> -> memref<320xi32, #tpu.memory_space<hbm>>
      tpu.wait_dma2 semaphore(%run_scoped3A : memref<!tpu.dma_semaphore, #tpu.memory_space<semaphore_mem>>) src(%dma_wait3A_6 : memref<320xi32, #tpu.memory_space<hbm>>) dst(%arg5 : memref<320xi32, #tpu.memory_space<vmem>>)
      tpu.yield
    }) : () -> ()
    %dma_start3A = arith.constant 0 : i32
    %dma_start3A_1 = tpu.memref_slice %arg4[%dma_start3A] : memref<5120xi32, #tpu.memory_space<hbm>> -> memref<5120xi32, #tpu.memory_space<hbm>>
    tpu.enqueue_indirect_dma source(%arg5 : memref<320xi32, #tpu.memory_space<vmem>>) target(%dma_start3A_1 : memref<5120xi32, #tpu.memory_space<hbm>>) offsets(%arg6 : memref<320xi32, #tpu.memory_space<vmem>>) semaphore(%arg7 : memref<!tpu.dma_semaphore, #tpu.memory_space<semaphore_mem>>)
    %dma_wait3A = arith.constant 0 : i32
    %dma_wait3A_2 = tpu.memref_slice %arg4[%dma_wait3A] : memref<5120xi32, #tpu.memory_space<hbm>> -> memref<5120xi32, #tpu.memory_space<hbm>>
    tpu.wait_indirect_dma semaphore(%arg7 : memref<!tpu.dma_semaphore, #tpu.memory_space<semaphore_mem>>) src(%arg5 : memref<320xi32, #tpu.memory_space<vmem>>) dst(%dma_wait3A_2 : memref<5120xi32, #tpu.memory_space<hbm>>)
    return
  }
}

module attributes {stable_mosaic.version = 14 : i64} {
  func.func @_boost_kernel(%arg0: memref<40x128xf32, #tpu.memory_space<vmem>>, %arg1: memref<40x128xi32, #tpu.memory_space<vmem>>, %arg2: memref<1x256xi32, #tpu.memory_space<vmem>>, %arg3: memref<40x128xf32, #tpu.memory_space<vmem>>) attributes {dimension_semantics = [], scalar_prefetch = 0 : i64, scratch_operands = 0 : i64, tpu.core_type = #tpu.core_type<tc>} {
    %get3A = arith.constant 0 : index
    %get3A_0 = arith.constant 0 : index
    %get3A_1 = vector.load %arg1[%get3A, %get3A_0] : memref<40x128xi32, #tpu.memory_space<vmem>>, vector<40x128xi32>
    %get3A_2 = arith.constant 0 : index
    %get3A_3 = arith.constant 0 : index
    %get3A_4 = vector.load %arg2[%get3A_2, %get3A_3] : memref<1x256xi32, #tpu.memory_space<vmem>>, vector<1x256xi32>
    %broadcast_in_dim3A = vector.shape_cast %get3A_1 : vector<40x128xi32> to vector<40x128x1xi32>
    %squeeze3A = vector.shape_cast %get3A_4 : vector<1x256xi32> to vector<256xi32>
    %broadcast_in_dim3A_5 = vector.shape_cast %squeeze3A : vector<256xi32> to vector<1x1x256xi32>
    %eq3A = vector.broadcast %broadcast_in_dim3A : vector<40x128x1xi32> to vector<40x128x256xi32>
    %eq3A_6 = vector.broadcast %broadcast_in_dim3A_5 : vector<1x1x256xi32> to vector<40x128x256xi32>
    %eq3A_7 = arith.cmpi eq, %eq3A, %eq3A_6 : vector<40x128x256xi32>
    %reduce_or3A = arith.constant 1.000000e+00 : f32
    %reduce_or3A_8 = arith.constant 0.000000e+00 : f32
    %reduce_or3A_9 = vector.broadcast %reduce_or3A : f32 to vector<40x128x256xf32>
    %reduce_or3A_10 = vector.broadcast %reduce_or3A_8 : f32 to vector<40x128x256xf32>
    %reduce_or3A_11 = arith.select %eq3A_7, %reduce_or3A_9, %reduce_or3A_10 : vector<40x128x256xi1>, vector<40x128x256xf32>
    %reduce_or3A_12 = arith.constant dense<0xFF800000> : vector<40x128xf32>
    %reduce_or3A_13 = vector.multi_reduction <maximumf>, %reduce_or3A_11, %reduce_or3A_12 [2] : vector<40x128x256xf32> to vector<40x128xf32>
    %reduce_or3A_14 = arith.constant 0.000000e+00 : f32
    %reduce_or3A_15 = vector.broadcast %reduce_or3A_14 : f32 to vector<40x128xf32>
    %reduce_or3A_16 = arith.cmpf ogt, %reduce_or3A_13, %reduce_or3A_15 : vector<40x128xf32>
    %get3A_17 = arith.constant 0 : index
    %get3A_18 = arith.constant 0 : index
    %get3A_19 = vector.load %arg0[%get3A_17, %get3A_18] : memref<40x128xf32, #tpu.memory_space<vmem>>, vector<40x128xf32>
    %convert_element_type3A = arith.extui %reduce_or3A_16 : vector<40x128xi1> to vector<40x128xi32>
    %convert_element_type3A_20 = arith.sitofp %convert_element_type3A : vector<40x128xi32> to vector<40x128xf32>
    %add3A = arith.addf %get3A_19, %convert_element_type3A_20 : vector<40x128xf32>
    %swap3A = arith.constant 0 : index
    %swap3A_21 = arith.constant 0 : index
    %swap3A_22 = vector.load %arg3[%swap3A, %swap3A_21] : memref<40x128xf32, #tpu.memory_space<vmem>>, vector<40x128xf32>
    tpu.vector_store %arg3[%swap3A, %swap3A_21], %add3A {strides = array<i32>} : memref<40x128xf32, #tpu.memory_space<vmem>>, vector<40x128xf32>,
    return
  }
}

module attributes {stable_mosaic.version = 14 : i64} {
  func.func @_nms_kernel(%arg0: memref<1x5120xf32, #tpu.memory_space<vmem>>, %arg1: memref<1x5120xf32, #tpu.memory_space<vmem>>, %arg2: memref<1x5120xf32, #tpu.memory_space<vmem>>, %arg3: memref<1x5120xf32, #tpu.memory_space<vmem>>, %arg4: memref<1x5120xi32, #tpu.memory_space<vmem>>) attributes {dimension_semantics = [], scalar_prefetch = 0 : i64, scratch_operands = 0 : i64, tpu.core_type = #tpu.core_type<tc>} {
    %iota3A = tpu.iota {dimensions = array<i32: 1>} : vector<128x128xi32>
    %iota3A_0 = tpu.iota {dimensions = array<i32: 0>} : vector<128x128xi32>
    %lt3A = arith.cmpi slt, %iota3A, %iota3A_0 : vector<128x128xi32>
    %iota3A_1 = tpu.iota {dimensions = array<i32: 1>} : vector<128x2560xi32>
    %broadcast_in_dim3A = arith.constant 1 : i32
    %broadcast_in_dim3A_2 = vector.broadcast %broadcast_in_dim3A : i32 to vector<1x5120xi32>
    %swap3A = arith.constant 0 : index
    %swap3A_3 = arith.constant 0 : index
    %swap3A_4 = vector.load %arg4[%swap3A, %swap3A_3] : memref<1x5120xi32, #tpu.memory_space<vmem>>, vector<1x5120xi32>
    tpu.vector_store %arg4[%swap3A, %swap3A_3], %broadcast_in_dim3A_2 {strides = array<i32>} : memref<1x5120xi32, #tpu.memory_space<vmem>>, vector<1x5120xi32>,
    %scan3A = arith.constant 0 : i32
    %scan3A_5 = arith.constant 40 : i32
    %scan3A_6 = arith.addi %scan3A, %scan3A_5 : i32
    %scan3A_7 = arith.constant 1 : i32
    scf.for %scan3A_9 = %scan3A to %scan3A_6 step %scan3A_7  : i32 {
      %mul3A = arith.constant 128 : i32
      %mul3A_10 = arith.muli %scan3A_9, %mul3A : i32
      %get3A = arith.constant 0 : index
      %get3A_11 = arith.index_cast %mul3A_10 : i32 to index
      %get3A_12 = vector.load %arg0[%get3A, %get3A_11] : memref<1x5120xf32, #tpu.memory_space<vmem>>, vector<1x128xf32>
      %get3A_13 = vector.shape_cast %get3A_12 : vector<1x128xf32> to vector<128xf32>
      %get3A_14 = arith.constant 0 : index
      %get3A_15 = arith.index_cast %mul3A_10 : i32 to index
      %get3A_16 = vector.load %arg1[%get3A_14, %get3A_15] : memref<1x5120xf32, #tpu.memory_space<vmem>>, vector<1x128xf32>
      %get3A_17 = vector.shape_cast %get3A_16 : vector<1x128xf32> to vector<128xf32>
      %get3A_18 = arith.constant 0 : index
      %get3A_19 = arith.index_cast %mul3A_10 : i32 to index
      %get3A_20 = vector.load %arg2[%get3A_18, %get3A_19] : memref<1x5120xf32, #tpu.memory_space<vmem>>, vector<1x128xf32>
      %get3A_21 = vector.shape_cast %get3A_20 : vector<1x128xf32> to vector<128xf32>
      %get3A_22 = arith.constant 0 : index
      %get3A_23 = arith.index_cast %mul3A_10 : i32 to index
      %get3A_24 = vector.load %arg3[%get3A_22, %get3A_23] : memref<1x5120xf32, #tpu.memory_space<vmem>>, vector<1x128xf32>
      %get3A_25 = vector.shape_cast %get3A_24 : vector<1x128xf32> to vector<128xf32>
      %sub3A = arith.subf %get3A_21, %get3A_13 : vector<128xf32>
      %jit3A = arith.constant 0.000000e+00 : f32
      %max3A = vector.broadcast %jit3A : f32 to vector<128xf32>
      %max3A_26 = arith.maximumf %max3A, %sub3A : vector<128xf32>
      %sub3A_27 = arith.subf %get3A_25, %get3A_17 : vector<128xf32>
      %jit3A_28 = arith.constant 0.000000e+00 : f32
      %max3A_29 = vector.broadcast %jit3A_28 : f32 to vector<128xf32>
      %max3A_30 = arith.maximumf %max3A_29, %sub3A_27 : vector<128xf32>
      %mul3A_31 = arith.mulf %max3A_26, %max3A_30 : vector<128xf32>
      %add3A = arith.constant 2560 : i32
      %add3A_32 = arith.addi %mul3A_10, %add3A : i32
      %sub3A_33 = arith.constant 1 : i32
      %sub3A_34 = arith.subi %add3A_32, %sub3A_33 : i32
      %jit3A_35 = arith.constant 2560 : i32
      %div3A = arith.divsi %sub3A_34, %jit3A_35 : i32
      %sign3A = arith.constant 0 : i32
      %sign3A_36 = arith.cmpi sgt, %sub3A_34, %sign3A : i32
      %sign3A_37 = arith.extui %sign3A_36 : i1 to i32
      %sign3A_38 = arith.constant 0 : i32
      %sign3A_39 = arith.cmpi slt, %sub3A_34, %sign3A_38 : i32
      %sign3A_40 = arith.extui %sign3A_39 : i1 to i32
      %sign3A_41 = arith.subi %sign3A_37, %sign3A_40 : i32
      %sign3A_42 = arith.constant 0 : i32
      %sign3A_43 = arith.cmpi sgt, %jit3A_35, %sign3A_42 : i32
      %sign3A_44 = arith.extui %sign3A_43 : i1 to i32
      %sign3A_45 = arith.constant 0 : i32
      %sign3A_46 = arith.cmpi slt, %jit3A_35, %sign3A_45 : i32
      %sign3A_47 = arith.extui %sign3A_46 : i1 to i32
      %sign3A_48 = arith.subi %sign3A_44, %sign3A_47 : i32
      %ne3A = arith.cmpi ne, %sign3A_41, %sign3A_48 : i32
      %rem3A = arith.remsi %sub3A_34, %jit3A_35 : i32
      %ne3A_49 = arith.constant 0 : i32
      %ne3A_50 = arith.cmpi ne, %rem3A, %ne3A_49 : i32
      %and3A = arith.andi %ne3A, %ne3A_50 : i1
      %sub3A_51 = arith.constant 1 : i32
      %sub3A_52 = arith.subi %div3A, %sub3A_51 : i32
      %select_n3A = arith.select %and3A, %sub3A_52, %div3A : i32
      %broadcast_in_dim3A_53 = arith.constant 0 : i32
      %broadcast_in_dim3A_54 = vector.broadcast %broadcast_in_dim3A_53 : i32 to vector<128xi32>
      %while3A = arith.constant 0 : i32
      %while3A_55 = arith.subi %select_n3A, %while3A : i32
      %while3A_56 = arith.addi %while3A, %while3A_55 : i32
      %while3A_57 = arith.constant 1 : i32
      %while3A_58 = arith.divsi %while3A_55, %while3A_57 : i32
      %while3A_59 = arith.muli %while3A_58, %while3A_57 : i32
      %while3A_60 = arith.addi %while3A, %while3A_59 : i32
      %while3A_61 = arith.constant 1 : i32
      %while3A_62 = scf.for %while3A_114 = %while3A to %while3A_60 step %while3A_61 iter_args(%while3A_115 = %broadcast_in_dim3A_54) -> (vector<128xi32>)  : i32 {
        %mul3A_116 = arith.constant 2560 : i32
        %mul3A_117 = arith.muli %while3A_114, %mul3A_116 : i32
        %get3A_118 = arith.constant 0 : index
        %get3A_119 = arith.index_cast %mul3A_117 : i32 to index
        %get3A_120 = vector.load %arg0[%get3A_118, %get3A_119] : memref<1x5120xf32, #tpu.memory_space<vmem>>, vector<1x2560xf32>
        %get3A_121 = vector.shape_cast %get3A_120 : vector<1x2560xf32> to vector<2560xf32>
        %get3A_122 = arith.constant 0 : index
        %get3A_123 = arith.index_cast %mul3A_117 : i32 to index
        %get3A_124 = vector.load %arg1[%get3A_122, %get3A_123] : memref<1x5120xf32, #tpu.memory_space<vmem>>, vector<1x2560xf32>
        %get3A_125 = vector.shape_cast %get3A_124 : vector<1x2560xf32> to vector<2560xf32>
        %get3A_126 = arith.constant 0 : index
        %get3A_127 = arith.index_cast %mul3A_117 : i32 to index
        %get3A_128 = vector.load %arg2[%get3A_126, %get3A_127] : memref<1x5120xf32, #tpu.memory_space<vmem>>, vector<1x2560xf32>
        %get3A_129 = vector.shape_cast %get3A_128 : vector<1x2560xf32> to vector<2560xf32>
        %get3A_130 = arith.constant 0 : index
        %get3A_131 = arith.index_cast %mul3A_117 : i32 to index
        %get3A_132 = vector.load %arg3[%get3A_130, %get3A_131] : memref<1x5120xf32, #tpu.memory_space<vmem>>, vector<1x2560xf32>
        %get3A_133 = vector.shape_cast %get3A_132 : vector<1x2560xf32> to vector<2560xf32>
        %sub3A_134 = arith.subf %get3A_129, %get3A_121 : vector<2560xf32>
        %jit3A_135 = arith.constant 0.000000e+00 : f32
        %max3A_136 = vector.broadcast %jit3A_135 : f32 to vector<2560xf32>
        %max3A_137 = arith.maximumf %max3A_136, %sub3A_134 : vector<2560xf32>
        %sub3A_138 = arith.subf %get3A_133, %get3A_125 : vector<2560xf32>
        %jit3A_139 = arith.constant 0.000000e+00 : f32
        %max3A_140 = vector.broadcast %jit3A_139 : f32 to vector<2560xf32>
        %max3A_141 = arith.maximumf %max3A_140, %sub3A_138 : vector<2560xf32>
        %mul3A_142 = arith.mulf %max3A_137, %max3A_141 : vector<2560xf32>
        %broadcast_in_dim3A_143 = vector.shape_cast %get3A_13 : vector<128xf32> to vector<128x1xf32>
        %broadcast_in_dim3A_144 = vector.shape_cast %get3A_121 : vector<2560xf32> to vector<1x2560xf32>
        %max3A_145 = vector.broadcast %broadcast_in_dim3A_143 : vector<128x1xf32> to vector<128x2560xf32>
        %max3A_146 = vector.broadcast %broadcast_in_dim3A_144 : vector<1x2560xf32> to vector<128x2560xf32>
        %max3A_147 = arith.maximumf %max3A_145, %max3A_146 : vector<128x2560xf32>
        %broadcast_in_dim3A_148 = vector.shape_cast %get3A_17 : vector<128xf32> to vector<128x1xf32>
        %broadcast_in_dim3A_149 = vector.shape_cast %get3A_125 : vector<2560xf32> to vector<1x2560xf32>
        %max3A_150 = vector.broadcast %broadcast_in_dim3A_148 : vector<128x1xf32> to vector<128x2560xf32>
        %max3A_151 = vector.broadcast %broadcast_in_dim3A_149 : vector<1x2560xf32> to vector<128x2560xf32>
        %max3A_152 = arith.maximumf %max3A_150, %max3A_151 : vector<128x2560xf32>
        %broadcast_in_dim3A_153 = vector.shape_cast %get3A_21 : vector<128xf32> to vector<128x1xf32>
        %broadcast_in_dim3A_154 = vector.shape_cast %get3A_129 : vector<2560xf32> to vector<1x2560xf32>
        %min3A_155 = vector.broadcast %broadcast_in_dim3A_153 : vector<128x1xf32> to vector<128x2560xf32>
        %min3A_156 = vector.broadcast %broadcast_in_dim3A_154 : vector<1x2560xf32> to vector<128x2560xf32>
        %min3A_157 = arith.minimumf %min3A_155, %min3A_156 : vector<128x2560xf32>
        %broadcast_in_dim3A_158 = vector.shape_cast %get3A_25 : vector<128xf32> to vector<128x1xf32>
        %broadcast_in_dim3A_159 = vector.shape_cast %get3A_133 : vector<2560xf32> to vector<1x2560xf32>
        %min3A_160 = vector.broadcast %broadcast_in_dim3A_158 : vector<128x1xf32> to vector<128x2560xf32>
        %min3A_161 = vector.broadcast %broadcast_in_dim3A_159 : vector<1x2560xf32> to vector<128x2560xf32>
        %min3A_162 = arith.minimumf %min3A_160, %min3A_161 : vector<128x2560xf32>
        %sub3A_163 = arith.subf %min3A_157, %max3A_147 : vector<128x2560xf32>
        %jit3A_164 = arith.constant 0.000000e+00 : f32
        %max3A_165 = vector.broadcast %jit3A_164 : f32 to vector<128x2560xf32>
        %max3A_166 = arith.maximumf %max3A_165, %sub3A_163 : vector<128x2560xf32>
        %sub3A_167 = arith.subf %min3A_162, %max3A_152 : vector<128x2560xf32>
        %jit3A_168 = arith.constant 0.000000e+00 : f32
        %max3A_169 = vector.broadcast %jit3A_168 : f32 to vector<128x2560xf32>
        %max3A_170 = arith.maximumf %max3A_169, %sub3A_167 : vector<128x2560xf32>
        %mul3A_171 = arith.mulf %max3A_166, %max3A_170 : vector<128x2560xf32>
        %broadcast_in_dim3A_172 = vector.shape_cast %mul3A_31 : vector<128xf32> to vector<128x1xf32>
        %broadcast_in_dim3A_173 = vector.shape_cast %mul3A_142 : vector<2560xf32> to vector<1x2560xf32>
        %add3A_174 = vector.broadcast %broadcast_in_dim3A_172 : vector<128x1xf32> to vector<128x2560xf32>
        %add3A_175 = vector.broadcast %broadcast_in_dim3A_173 : vector<1x2560xf32> to vector<128x2560xf32>
        %add3A_176 = arith.addf %add3A_174, %add3A_175 : vector<128x2560xf32>
        %sub3A_177 = arith.subf %add3A_176, %mul3A_171 : vector<128x2560xf32>
        %add3A_178 = arith.constant 9.99999971E-10 : f32
        %add3A_179 = vector.broadcast %add3A_178 : f32 to vector<128x2560xf32>
        %add3A_180 = arith.addf %sub3A_177, %add3A_179 : vector<128x2560xf32>
        %div3A_181 = arith.divf %mul3A_171, %add3A_180 : vector<128x2560xf32>
        %get3A_182 = arith.constant 0 : index
        %get3A_183 = arith.index_cast %mul3A_117 : i32 to index
        %get3A_184 = vector.load %arg4[%get3A_182, %get3A_183] : memref<1x5120xi32, #tpu.memory_space<vmem>>, vector<1x2560xi32>
        %get3A_185 = vector.shape_cast %get3A_184 : vector<1x2560xi32> to vector<2560xi32>
        %ne3A_186 = arith.constant 0 : i32
        %ne3A_187 = vector.broadcast %ne3A_186 : i32 to vector<2560xi32>
        %ne3A_188 = arith.cmpi ne, %get3A_185, %ne3A_187 : vector<2560xi32>
        %gt3A_189 = arith.constant 5.000000e-01 : f32
        %gt3A_190 = vector.broadcast %gt3A_189 : f32 to vector<128x2560xf32>
        %gt3A_191 = arith.cmpf ogt, %div3A_181, %gt3A_190 : vector<128x2560xf32>
        %broadcast_in_dim3A_192 = vector.shape_cast %ne3A_188 : vector<2560xi1> to vector<1x2560xi1>
        %and3A_193 = vector.broadcast %broadcast_in_dim3A_192 : vector<1x2560xi1> to vector<128x2560xi1>
        %and3A_194 = arith.andi %gt3A_191, %and3A_193 : vector<128x2560xi1>
        %add3A_195 = vector.broadcast %mul3A_117 : i32 to vector<128x2560xi32>
        %add3A_196 = arith.addi %iota3A_1, %add3A_195 : vector<128x2560xi32>
        %lt3A_197 = vector.broadcast %mul3A_10 : i32 to vector<128x2560xi32>
        %lt3A_198 = arith.cmpi slt, %add3A_196, %lt3A_197 : vector<128x2560xi32>
        %and3A_199 = arith.andi %and3A_194, %lt3A_198 : vector<128x2560xi1>
        %reduce_or3A = arith.constant 1.000000e+00 : f32
        %reduce_or3A_200 = arith.constant 0.000000e+00 : f32
        %reduce_or3A_201 = vector.broadcast %reduce_or3A : f32 to vector<128x2560xf32>
        %reduce_or3A_202 = vector.broadcast %reduce_or3A_200 : f32 to vector<128x2560xf32>
        %reduce_or3A_203 = arith.select %and3A_199, %reduce_or3A_201, %reduce_or3A_202 : vector<128x2560xi1>, vector<128x2560xf32>
        %reduce_or3A_204 = arith.constant dense<0xFF800000> : vector<128xf32>
        %reduce_or3A_205 = vector.multi_reduction <maximumf>, %reduce_or3A_203, %reduce_or3A_204 [1] : vector<128x2560xf32> to vector<128xf32>
        %reduce_or3A_206 = arith.constant 0.000000e+00 : f32
        %reduce_or3A_207 = vector.broadcast %reduce_or3A_206 : f32 to vector<128xf32>
        %reduce_or3A_208 = arith.cmpf ogt, %reduce_or3A_205, %reduce_or3A_207 : vector<128xf32>
        %convert_element_type3A_209 = arith.extui %reduce_or3A_208 : vector<128xi1> to vector<128xi32>
        %or3A = arith.ori %while3A_115, %convert_element_type3A_209 : vector<128xi32>
        scf.yield %or3A : vector<128xi32>
      }
      %while3A_63 = arith.constant 1 : i32
      %while3A_64 = scf.for %while3A_114 = %while3A_60 to %while3A_56 step %while3A_63 iter_args(%while3A_115 = %while3A_62) -> (vector<128xi32>)  : i32 {
        %mul3A_116 = arith.constant 2560 : i32
        %mul3A_117 = arith.muli %while3A_114, %mul3A_116 : i32
        %get3A_118 = arith.constant 0 : index
        %get3A_119 = arith.index_cast %mul3A_117 : i32 to index
        %get3A_120 = vector.load %arg0[%get3A_118, %get3A_119] : memref<1x5120xf32, #tpu.memory_space<vmem>>, vector<1x2560xf32>
        %get3A_121 = vector.shape_cast %get3A_120 : vector<1x2560xf32> to vector<2560xf32>
        %get3A_122 = arith.constant 0 : index
        %get3A_123 = arith.index_cast %mul3A_117 : i32 to index
        %get3A_124 = vector.load %arg1[%get3A_122, %get3A_123] : memref<1x5120xf32, #tpu.memory_space<vmem>>, vector<1x2560xf32>
        %get3A_125 = vector.shape_cast %get3A_124 : vector<1x2560xf32> to vector<2560xf32>
        %get3A_126 = arith.constant 0 : index
        %get3A_127 = arith.index_cast %mul3A_117 : i32 to index
        %get3A_128 = vector.load %arg2[%get3A_126, %get3A_127] : memref<1x5120xf32, #tpu.memory_space<vmem>>, vector<1x2560xf32>
        %get3A_129 = vector.shape_cast %get3A_128 : vector<1x2560xf32> to vector<2560xf32>
        %get3A_130 = arith.constant 0 : index
        %get3A_131 = arith.index_cast %mul3A_117 : i32 to index
        %get3A_132 = vector.load %arg3[%get3A_130, %get3A_131] : memref<1x5120xf32, #tpu.memory_space<vmem>>, vector<1x2560xf32>
        %get3A_133 = vector.shape_cast %get3A_132 : vector<1x2560xf32> to vector<2560xf32>
        %sub3A_134 = arith.subf %get3A_129, %get3A_121 : vector<2560xf32>
        %jit3A_135 = arith.constant 0.000000e+00 : f32
        %max3A_136 = vector.broadcast %jit3A_135 : f32 to vector<2560xf32>
        %max3A_137 = arith.maximumf %max3A_136, %sub3A_134 : vector<2560xf32>
        %sub3A_138 = arith.subf %get3A_133, %get3A_125 : vector<2560xf32>
        %jit3A_139 = arith.constant 0.000000e+00 : f32
        %max3A_140 = vector.broadcast %jit3A_139 : f32 to vector<2560xf32>
        %max3A_141 = arith.maximumf %max3A_140, %sub3A_138 : vector<2560xf32>
        %mul3A_142 = arith.mulf %max3A_137, %max3A_141 : vector<2560xf32>
        %broadcast_in_dim3A_143 = vector.shape_cast %get3A_13 : vector<128xf32> to vector<128x1xf32>
        %broadcast_in_dim3A_144 = vector.shape_cast %get3A_121 : vector<2560xf32> to vector<1x2560xf32>
        %max3A_145 = vector.broadcast %broadcast_in_dim3A_143 : vector<128x1xf32> to vector<128x2560xf32>
        %max3A_146 = vector.broadcast %broadcast_in_dim3A_144 : vector<1x2560xf32> to vector<128x2560xf32>
        %max3A_147 = arith.maximumf %max3A_145, %max3A_146 : vector<128x2560xf32>
        %broadcast_in_dim3A_148 = vector.shape_cast %get3A_17 : vector<128xf32> to vector<128x1xf32>
        %broadcast_in_dim3A_149 = vector.shape_cast %get3A_125 : vector<2560xf32> to vector<1x2560xf32>
        %max3A_150 = vector.broadcast %broadcast_in_dim3A_148 : vector<128x1xf32> to vector<128x2560xf32>
        %max3A_151 = vector.broadcast %broadcast_in_dim3A_149 : vector<1x2560xf32> to vector<128x2560xf32>
        %max3A_152 = arith.maximumf %max3A_150, %max3A_151 : vector<128x2560xf32>
        %broadcast_in_dim3A_153 = vector.shape_cast %get3A_21 : vector<128xf32> to vector<128x1xf32>
        %broadcast_in_dim3A_154 = vector.shape_cast %get3A_129 : vector<2560xf32> to vector<1x2560xf32>
        %min3A_155 = vector.broadcast %broadcast_in_dim3A_153 : vector<128x1xf32> to vector<128x2560xf32>
        %min3A_156 = vector.broadcast %broadcast_in_dim3A_154 : vector<1x2560xf32> to vector<128x2560xf32>
        %min3A_157 = arith.minimumf %min3A_155, %min3A_156 : vector<128x2560xf32>
        %broadcast_in_dim3A_158 = vector.shape_cast %get3A_25 : vector<128xf32> to vector<128x1xf32>
        %broadcast_in_dim3A_159 = vector.shape_cast %get3A_133 : vector<2560xf32> to vector<1x2560xf32>
        %min3A_160 = vector.broadcast %broadcast_in_dim3A_158 : vector<128x1xf32> to vector<128x2560xf32>
        %min3A_161 = vector.broadcast %broadcast_in_dim3A_159 : vector<1x2560xf32> to vector<128x2560xf32>
        %min3A_162 = arith.minimumf %min3A_160, %min3A_161 : vector<128x2560xf32>
        %sub3A_163 = arith.subf %min3A_157, %max3A_147 : vector<128x2560xf32>
        %jit3A_164 = arith.constant 0.000000e+00 : f32
        %max3A_165 = vector.broadcast %jit3A_164 : f32 to vector<128x2560xf32>
        %max3A_166 = arith.maximumf %max3A_165, %sub3A_163 : vector<128x2560xf32>
        %sub3A_167 = arith.subf %min3A_162, %max3A_152 : vector<128x2560xf32>
        %jit3A_168 = arith.constant 0.000000e+00 : f32
        %max3A_169 = vector.broadcast %jit3A_168 : f32 to vector<128x2560xf32>
        %max3A_170 = arith.maximumf %max3A_169, %sub3A_167 : vector<128x2560xf32>
        %mul3A_171 = arith.mulf %max3A_166, %max3A_170 : vector<128x2560xf32>
        %broadcast_in_dim3A_172 = vector.shape_cast %mul3A_31 : vector<128xf32> to vector<128x1xf32>
        %broadcast_in_dim3A_173 = vector.shape_cast %mul3A_142 : vector<2560xf32> to vector<1x2560xf32>
        %add3A_174 = vector.broadcast %broadcast_in_dim3A_172 : vector<128x1xf32> to vector<128x2560xf32>
        %add3A_175 = vector.broadcast %broadcast_in_dim3A_173 : vector<1x2560xf32> to vector<128x2560xf32>
        %add3A_176 = arith.addf %add3A_174, %add3A_175 : vector<128x2560xf32>
        %sub3A_177 = arith.subf %add3A_176, %mul3A_171 : vector<128x2560xf32>
        %add3A_178 = arith.constant 9.99999971E-10 : f32
        %add3A_179 = vector.broadcast %add3A_178 : f32 to vector<128x2560xf32>
        %add3A_180 = arith.addf %sub3A_177, %add3A_179 : vector<128x2560xf32>
        %div3A_181 = arith.divf %mul3A_171, %add3A_180 : vector<128x2560xf32>
        %get3A_182 = arith.constant 0 : index
        %get3A_183 = arith.index_cast %mul3A_117 : i32 to index
        %get3A_184 = vector.load %arg4[%get3A_182, %get3A_183] : memref<1x5120xi32, #tpu.memory_space<vmem>>, vector<1x2560xi32>
        %get3A_185 = vector.shape_cast %get3A_184 : vector<1x2560xi32> to vector<2560xi32>
        %ne3A_186 = arith.constant 0 : i32
        %ne3A_187 = vector.broadcast %ne3A_186 : i32 to vector<2560xi32>
        %ne3A_188 = arith.cmpi ne, %get3A_185, %ne3A_187 : vector<2560xi32>
        %gt3A_189 = arith.constant 5.000000e-01 : f32
        %gt3A_190 = vector.broadcast %gt3A_189 : f32 to vector<128x2560xf32>
        %gt3A_191 = arith.cmpf ogt, %div3A_181, %gt3A_190 : vector<128x2560xf32>
        %broadcast_in_dim3A_192 = vector.shape_cast %ne3A_188 : vector<2560xi1> to vector<1x2560xi1>
        %and3A_193 = vector.broadcast %broadcast_in_dim3A_192 : vector<1x2560xi1> to vector<128x2560xi1>
        %and3A_194 = arith.andi %gt3A_191, %and3A_193 : vector<128x2560xi1>
        %add3A_195 = vector.broadcast %mul3A_117 : i32 to vector<128x2560xi32>
        %add3A_196 = arith.addi %iota3A_1, %add3A_195 : vector<128x2560xi32>
        %lt3A_197 = vector.broadcast %mul3A_10 : i32 to vector<128x2560xi32>
        %lt3A_198 = arith.cmpi slt, %add3A_196, %lt3A_197 : vector<128x2560xi32>
        %and3A_199 = arith.andi %and3A_194, %lt3A_198 : vector<128x2560xi1>
        %reduce_or3A = arith.constant 1.000000e+00 : f32
        %reduce_or3A_200 = arith.constant 0.000000e+00 : f32
        %reduce_or3A_201 = vector.broadcast %reduce_or3A : f32 to vector<128x2560xf32>
        %reduce_or3A_202 = vector.broadcast %reduce_or3A_200 : f32 to vector<128x2560xf32>
        %reduce_or3A_203 = arith.select %and3A_199, %reduce_or3A_201, %reduce_or3A_202 : vector<128x2560xi1>, vector<128x2560xf32>
        %reduce_or3A_204 = arith.constant dense<0xFF800000> : vector<128xf32>
        %reduce_or3A_205 = vector.multi_reduction <maximumf>, %reduce_or3A_203, %reduce_or3A_204 [1] : vector<128x2560xf32> to vector<128xf32>
        %reduce_or3A_206 = arith.constant 0.000000e+00 : f32
        %reduce_or3A_207 = vector.broadcast %reduce_or3A_206 : f32 to vector<128xf32>
        %reduce_or3A_208 = arith.cmpf ogt, %reduce_or3A_205, %reduce_or3A_207 : vector<128xf32>
        %convert_element_type3A_209 = arith.extui %reduce_or3A_208 : vector<128xi1> to vector<128xi32>
        %or3A = arith.ori %while3A_115, %convert_element_type3A_209 : vector<128xi32>
        scf.yield %or3A : vector<128xi32>
      }
      %eq3A = arith.constant 0 : i32
      %eq3A_65 = vector.broadcast %eq3A : i32 to vector<128xi32>
      %eq3A_66 = arith.cmpi eq, %while3A_64, %eq3A_65 : vector<128xi32>
      %broadcast_in_dim3A_67 = vector.shape_cast %get3A_13 : vector<128xf32> to vector<128x1xf32>
      %broadcast_in_dim3A_68 = vector.shape_cast %get3A_13 : vector<128xf32> to vector<1x128xf32>
      %max3A_69 = vector.broadcast %broadcast_in_dim3A_67 : vector<128x1xf32> to vector<128x128xf32>
      %max3A_70 = vector.broadcast %broadcast_in_dim3A_68 : vector<1x128xf32> to vector<128x128xf32>
      %max3A_71 = arith.maximumf %max3A_69, %max3A_70 : vector<128x128xf32>
      %broadcast_in_dim3A_72 = vector.shape_cast %get3A_17 : vector<128xf32> to vector<128x1xf32>
      %broadcast_in_dim3A_73 = vector.shape_cast %get3A_17 : vector<128xf32> to vector<1x128xf32>
      %max3A_74 = vector.broadcast %broadcast_in_dim3A_72 : vector<128x1xf32> to vector<128x128xf32>
      %max3A_75 = vector.broadcast %broadcast_in_dim3A_73 : vector<1x128xf32> to vector<128x128xf32>
      %max3A_76 = arith.maximumf %max3A_74, %max3A_75 : vector<128x128xf32>
      %broadcast_in_dim3A_77 = vector.shape_cast %get3A_21 : vector<128xf32> to vector<128x1xf32>
      %broadcast_in_dim3A_78 = vector.shape_cast %get3A_21 : vector<128xf32> to vector<1x128xf32>
      %min3A = vector.broadcast %broadcast_in_dim3A_77 : vector<128x1xf32> to vector<128x128xf32>
      %min3A_79 = vector.broadcast %broadcast_in_dim3A_78 : vector<1x128xf32> to vector<128x128xf32>
      %min3A_80 = arith.minimumf %min3A, %min3A_79 : vector<128x128xf32>
      %broadcast_in_dim3A_81 = vector.shape_cast %get3A_25 : vector<128xf32> to vector<128x1xf32>
      %broadcast_in_dim3A_82 = vector.shape_cast %get3A_25 : vector<128xf32> to vector<1x128xf32>
      %min3A_83 = vector.broadcast %broadcast_in_dim3A_81 : vector<128x1xf32> to vector<128x128xf32>
      %min3A_84 = vector.broadcast %broadcast_in_dim3A_82 : vector<1x128xf32> to vector<128x128xf32>
      %min3A_85 = arith.minimumf %min3A_83, %min3A_84 : vector<128x128xf32>
      %sub3A_86 = arith.subf %min3A_80, %max3A_71 : vector<128x128xf32>
      %jit3A_87 = arith.constant 0.000000e+00 : f32
      %max3A_88 = vector.broadcast %jit3A_87 : f32 to vector<128x128xf32>
      %max3A_89 = arith.maximumf %max3A_88, %sub3A_86 : vector<128x128xf32>
      %sub3A_90 = arith.subf %min3A_85, %max3A_76 : vector<128x128xf32>
      %jit3A_91 = arith.constant 0.000000e+00 : f32
      %max3A_92 = vector.broadcast %jit3A_91 : f32 to vector<128x128xf32>
      %max3A_93 = arith.maximumf %max3A_92, %sub3A_90 : vector<128x128xf32>
      %mul3A_94 = arith.mulf %max3A_89, %max3A_93 : vector<128x128xf32>
      %broadcast_in_dim3A_95 = vector.shape_cast %mul3A_31 : vector<128xf32> to vector<128x1xf32>
      %broadcast_in_dim3A_96 = vector.shape_cast %mul3A_31 : vector<128xf32> to vector<1x128xf32>
      %add3A_97 = vector.broadcast %broadcast_in_dim3A_95 : vector<128x1xf32> to vector<128x128xf32>
      %add3A_98 = vector.broadcast %broadcast_in_dim3A_96 : vector<1x128xf32> to vector<128x128xf32>
      %add3A_99 = arith.addf %add3A_97, %add3A_98 : vector<128x128xf32>
      %sub3A_100 = arith.subf %add3A_99, %mul3A_94 : vector<128x128xf32>
      %add3A_101 = arith.constant 9.99999971E-10 : f32
      %add3A_102 = vector.broadcast %add3A_101 : f32 to vector<128x128xf32>
      %add3A_103 = arith.addf %sub3A_100, %add3A_102 : vector<128x128xf32>
      %div3A_104 = arith.divf %mul3A_94, %add3A_103 : vector<128x128xf32>
      %gt3A = arith.constant 5.000000e-01 : f32
      %gt3A_105 = vector.broadcast %gt3A : f32 to vector<128x128xf32>
      %gt3A_106 = arith.cmpf ogt, %div3A_104, %gt3A_105 : vector<128x128xf32>
      %convert_element_type3A = arith.extui %eq3A_66 : vector<128xi1> to vector<128xi32>
      %while3A_107 = arith.constant 1 : i32
      %while3A_108:2 = scf.while (%while3A_114 = %convert_element_type3A, %while3A_115 = %while3A_107) : (vector<128xi32>, i32) -> (vector<128xi32>, i32) {
        %gt3A_116 = arith.constant 0 : i32
        %gt3A_117 = arith.cmpi sgt, %while3A_115, %gt3A_116 : i32
        scf.condition(%gt3A_117) %while3A_114, %while3A_115 : vector<128xi32>, i32
      } do {
      ^bb0(%while3A_114: vector<128xi32>, %while3A_115: i32):
        %ne3A_116 = arith.constant 0 : i32
        %ne3A_117 = vector.broadcast %ne3A_116 : i32 to vector<128xi32>
        %ne3A_118 = arith.cmpi ne, %while3A_114, %ne3A_117 : vector<128xi32>
        %and3A_119 = arith.andi %gt3A_106, %lt3A : vector<128x128xi1>
        %broadcast_in_dim3A_120 = vector.shape_cast %ne3A_118 : vector<128xi1> to vector<1x128xi1>
        %and3A_121 = vector.broadcast %broadcast_in_dim3A_120 : vector<1x128xi1> to vector<128x128xi1>
        %and3A_122 = arith.andi %and3A_119, %and3A_121 : vector<128x128xi1>
        %reduce_or3A = arith.constant 1.000000e+00 : f32
        %reduce_or3A_123 = arith.constant 0.000000e+00 : f32
        %reduce_or3A_124 = vector.broadcast %reduce_or3A : f32 to vector<128x128xf32>
        %reduce_or3A_125 = vector.broadcast %reduce_or3A_123 : f32 to vector<128x128xf32>
        %reduce_or3A_126 = arith.select %and3A_122, %reduce_or3A_124, %reduce_or3A_125 : vector<128x128xi1>, vector<128x128xf32>
        %reduce_or3A_127 = arith.constant dense<0xFF800000> : vector<128xf32>
        %reduce_or3A_128 = vector.multi_reduction <maximumf>, %reduce_or3A_126, %reduce_or3A_127 [1] : vector<128x128xf32> to vector<128xf32>
        %reduce_or3A_129 = arith.constant 0.000000e+00 : f32
        %reduce_or3A_130 = vector.broadcast %reduce_or3A_129 : f32 to vector<128xf32>
        %reduce_or3A_131 = arith.cmpf ogt, %reduce_or3A_128, %reduce_or3A_130 : vector<128xf32>
        %not3A = arith.constant dense<true> : vector<128xi1>
        %not3A_132 = arith.xori %reduce_or3A_131, %not3A : vector<128xi1>
        %and3A_133 = arith.andi %eq3A_66, %not3A_132 : vector<128xi1>
        %convert_element_type3A_134 = arith.extui %and3A_133 : vector<128xi1> to vector<128xi32>
        %sub3A_135 = arith.subi %convert_element_type3A_134, %while3A_114 : vector<128xi32>
        %abs3A = math.absi %sub3A_135 : vector<128xi32>
        %reduce_max3A = vector.shape_cast %abs3A : vector<128xi32> to vector<1x128xi32>
        %reduce_max3A_136 = arith.constant dense<-2147483648> : vector<1xi32>
        %reduce_max3A_137 = vector.multi_reduction <maxsi>, %reduce_max3A, %reduce_max3A_136 [1] : vector<1x128xi32> to vector<1xi32>
        %reduce_max3A_138 = vector.shape_cast %reduce_max3A_137 : vector<1xi32> to vector<1x1xi32>
        %reduce_max3A_139 = vector.extract %reduce_max3A_138[0, 0] : i32 from vector<1x1xi32>
        scf.yield %convert_element_type3A_134, %reduce_max3A_139 : vector<128xi32>, i32
      }
      %swap3A_109 = arith.constant 0 : index
      %swap3A_110 = arith.index_cast %mul3A_10 : i32 to index
      %swap3A_111 = vector.load %arg4[%swap3A_109, %swap3A_110] : memref<1x5120xi32, #tpu.memory_space<vmem>>, vector<1x128xi32>
      %swap3A_112 = vector.shape_cast %swap3A_111 : vector<1x128xi32> to vector<128xi32>
      %swap3A_113 = vector.shape_cast %while3A_108#0 : vector<128xi32> to vector<1x128xi32>
      tpu.vector_store %arg4[%swap3A_109, %swap3A_110], %swap3A_113 {strides = array<i32>} : memref<1x5120xi32, #tpu.memory_space<vmem>>, vector<1x128xi32>,
    }
    %scan3A_8 = arith.constant 40 : i32
    return
  }
}

module attributes {stable_mosaic.version = 14 : i64} {
  func.func @_post_kernel(%arg0: memref<40x128xf32, #tpu.memory_space<vmem>>, %arg1: memref<40x128xf32, #tpu.memory_space<vmem>>, %arg2: memref<40x128xf32, #tpu.memory_space<vmem>>, %arg3: memref<40x128xf32, #tpu.memory_space<vmem>>, %arg4: memref<40x128xf32, #tpu.memory_space<vmem>>, %arg5: memref<40x128xi32, #tpu.memory_space<vmem>>, %arg6: memref<40x128xi32, #tpu.memory_space<vmem>>, %arg7: memref<1x128xi32, #tpu.memory_space<vmem>>, %arg8: memref<128x128xf32, #tpu.memory_space<vmem>>, %arg9: memref<40x40xf32, #tpu.memory_space<vmem>>, %arg10: memref<40x128xf32, #tpu.memory_space<vmem>>, %arg11: memref<40x128xf32, #tpu.memory_space<vmem>>, %arg12: memref<40x128xf32, #tpu.memory_space<vmem>>, %arg13: memref<40x128xf32, #tpu.memory_space<vmem>>, %arg14: memref<40x128xf32, #tpu.memory_space<vmem>>, %arg15: memref<40x128xi32, #tpu.memory_space<vmem>>, %arg16: memref<40x128xi32, #tpu.memory_space<vmem>>) attributes {dimension_semantics = [], scalar_prefetch = 0 : i64, scratch_operands = 0 : i64, tpu.core_type = #tpu.core_type<tc>} {
    %get3A = arith.constant 0 : index
    %get3A_0 = arith.constant 0 : index
    %get3A_1 = vector.load %arg4[%get3A, %get3A_0] : memref<40x128xf32, #tpu.memory_space<vmem>>, vector<40x128xf32>
    %get3A_2 = arith.constant 0 : index
    %get3A_3 = arith.constant 0 : index
    %get3A_4 = vector.load %arg5[%get3A_2, %get3A_3] : memref<40x128xi32, #tpu.memory_space<vmem>>, vector<40x128xi32>
    %ne3A = arith.constant 0 : i32
    %ne3A_5 = vector.broadcast %ne3A : i32 to vector<40x128xi32>
    %ne3A_6 = arith.cmpi ne, %get3A_4, %ne3A_5 : vector<40x128xi32>
    %get3A_7 = arith.constant 0 : index
    %get3A_8 = arith.constant 0 : index
    %get3A_9 = vector.load %arg6[%get3A_7, %get3A_8] : memref<40x128xi32, #tpu.memory_space<vmem>>, vector<40x128xi32>
    %get3A_10 = arith.constant 0 : index
    %get3A_11 = arith.constant 0 : index
    %get3A_12 = vector.load %arg7[%get3A_10, %get3A_11] : memref<1x128xi32, #tpu.memory_space<vmem>>, vector<1x128xi32>
    %ge3A = arith.constant 2.000000e+00 : f32
    %ge3A_13 = vector.broadcast %ge3A : f32 to vector<40x128xf32>
    %ge3A_14 = arith.cmpf oge, %get3A_1, %ge3A_13 : vector<40x128xf32>
    %sub3A = arith.constant 2.000000e+00 : f32
    %sub3A_15 = vector.broadcast %sub3A : f32 to vector<40x128xf32>
    %sub3A_16 = arith.subf %get3A_1, %sub3A_15 : vector<40x128xf32>
    %select_n3A = arith.select %ge3A_14, %sub3A_16, %get3A_1 : vector<40x128xi1>, vector<40x128xf32>
    %ge3A_17 = arith.constant 1.000000e+00 : f32
    %ge3A_18 = vector.broadcast %ge3A_17 : f32 to vector<40x128xf32>
    %ge3A_19 = arith.cmpf oge, %select_n3A, %ge3A_18 : vector<40x128xf32>
    %sub3A_20 = arith.constant 1.000000e+00 : f32
    %sub3A_21 = vector.broadcast %sub3A_20 : f32 to vector<40x128xf32>
    %sub3A_22 = arith.subf %select_n3A, %sub3A_21 : vector<40x128xf32>
    %select_n3A_23 = arith.select %ge3A_19, %sub3A_22, %select_n3A : vector<40x128xi1>, vector<40x128xf32>
    %lt3A = arith.constant 0 : i32
    %lt3A_24 = vector.broadcast %lt3A : i32 to vector<40x128xi32>
    %lt3A_25 = arith.cmpi slt, %get3A_9, %lt3A_24 : vector<40x128xi32>
    %ge3A_26 = arith.constant 5.000000e-01 : f32
    %ge3A_27 = vector.broadcast %ge3A_26 : f32 to vector<40x128xf32>
    %ge3A_28 = arith.cmpf oge, %select_n3A_23, %ge3A_27 : vector<40x128xf32>
    %and3A = arith.andi %lt3A_25, %ge3A_28 : vector<40x128xi1>
    %and3A_29 = arith.andi %and3A, %ne3A_6 : vector<40x128xi1>
    %reduce_max3A = vector.shape_cast %get3A_9 : vector<40x128xi32> to vector<1x40x128xi32>
    %reduce_max3A_30 = arith.constant dense<-2147483648> : vector<1xi32>
    %reduce_max3A_31 = vector.multi_reduction <maxsi>, %reduce_max3A, %reduce_max3A_30 [1, 2] : vector<1x40x128xi32> to vector<1xi32>
    %reduce_max3A_32 = vector.shape_cast %reduce_max3A_31 : vector<1xi32> to vector<1x1x1xi32>
    %reduce_max3A_33 = vector.extract %reduce_max3A_32[0, 0, 0] : i32 from vector<1x1x1xi32>
    %convert_element_type3A = arith.extui %and3A_29 : vector<40x128xi1> to vector<40x128xi32>
    %convert_element_type3A_34 = arith.sitofp %convert_element_type3A : vector<40x128xi32> to vector<40x128xf32>
    %convert_element_type3A_35 = arith.truncf %convert_element_type3A_34 : vector<40x128xf32> to vector<40x128xbf16>
    %get3A_36 = arith.constant 0 : index
    %get3A_37 = arith.constant 0 : index
    %get3A_38 = vector.load %arg8[%get3A_36, %get3A_37] : memref<128x128xf32, #tpu.memory_space<vmem>>, vector<128x128xf32>
    %convert_element_type3A_39 = arith.truncf %get3A_38 : vector<128x128xf32> to vector<128x128xbf16>
    %dot_general3A = arith.constant dense<0.000000e+00> : vector<40x128xf32>
    %dot_general3A_40 = tpu.matmul %convert_element_type3A_35, %convert_element_type3A_39, %dot_general3A {dimension_numbers = #tpu.dot_dimension_numbers<[1], [0], [0], [1], [0, 0, 1, 1], [], []>, transpose_lhs_hint = false} : vector<40x128xbf16>, vector<128x128xbf16>, vector<40x128xf32> -> vector<40x128xf32>
    %slice3A = vector.extract_strided_slice %dot_general3A_40 {offsets = [0, 127], sizes = [40, 1], strides = [1, 1]} : vector<40x128xf32> to vector<40x1xf32>
    %get3A_41 = arith.constant 0 : index
    %get3A_42 = arith.constant 0 : index
    %get3A_43 = vector.load %arg9[%get3A_41, %get3A_42] : memref<40x40xf32, #tpu.memory_space<vmem>>, vector<40x40xf32>
    %convert_element_type3A_44 = arith.truncf %get3A_43 : vector<40x40xf32> to vector<40x40xbf16>
    %convert_element_type3A_45 = arith.truncf %slice3A : vector<40x1xf32> to vector<40x1xbf16>
    %dot_general3A_46 = arith.constant dense<0.000000e+00> : vector<40x1xf32>
    %dot_general3A_47 = tpu.matmul %convert_element_type3A_44, %convert_element_type3A_45, %dot_general3A_46 {dimension_numbers = #tpu.dot_dimension_numbers<[1], [0], [0], [1], [0, 0, 1, 1], [], []>, transpose_lhs_hint = false} : vector<40x40xbf16>, vector<40x1xbf16>, vector<40x1xf32> -> vector<40x1xf32>
    %add3A = vector.broadcast %dot_general3A_47 : vector<40x1xf32> to vector<40x128xf32>
    %add3A_48 = arith.addf %dot_general3A_40, %add3A : vector<40x128xf32>
    %convert_element_type3A_49 = arith.fptosi %add3A_48 : vector<40x128xf32> to vector<40x128xi32>
    %add3A_50 = vector.broadcast %reduce_max3A_33 : i32 to vector<40x128xi32>
    %add3A_51 = arith.addi %add3A_50, %convert_element_type3A_49 : vector<40x128xi32>
    %select_n3A_52 = arith.select %and3A_29, %add3A_51, %get3A_9 : vector<40x128xi1>, vector<40x128xi32>
    %broadcast_in_dim3A = vector.shape_cast %select_n3A_52 : vector<40x128xi32> to vector<40x128x1xi32>
    %squeeze3A = vector.shape_cast %get3A_12 : vector<1x128xi32> to vector<128xi32>
    %broadcast_in_dim3A_53 = vector.shape_cast %squeeze3A : vector<128xi32> to vector<1x1x128xi32>
    %eq3A = vector.broadcast %broadcast_in_dim3A : vector<40x128x1xi32> to vector<40x128x128xi32>
    %eq3A_54 = vector.broadcast %broadcast_in_dim3A_53 : vector<1x1x128xi32> to vector<40x128x128xi32>
    %eq3A_55 = arith.cmpi eq, %eq3A, %eq3A_54 : vector<40x128x128xi32>
    %reduce_or3A = arith.constant 1.000000e+00 : f32
    %reduce_or3A_56 = arith.constant 0.000000e+00 : f32
    %reduce_or3A_57 = vector.broadcast %reduce_or3A : f32 to vector<40x128x128xf32>
    %reduce_or3A_58 = vector.broadcast %reduce_or3A_56 : f32 to vector<40x128x128xf32>
    %reduce_or3A_59 = arith.select %eq3A_55, %reduce_or3A_57, %reduce_or3A_58 : vector<40x128x128xi1>, vector<40x128x128xf32>
    %reduce_or3A_60 = arith.constant dense<0xFF800000> : vector<40x128xf32>
    %reduce_or3A_61 = vector.multi_reduction <maximumf>, %reduce_or3A_59, %reduce_or3A_60 [2] : vector<40x128x128xf32> to vector<40x128xf32>
    %reduce_or3A_62 = arith.constant 0.000000e+00 : f32
    %reduce_or3A_63 = vector.broadcast %reduce_or3A_62 : f32 to vector<40x128xf32>
    %reduce_or3A_64 = arith.cmpf ogt, %reduce_or3A_61, %reduce_or3A_63 : vector<40x128xf32>
    %ge3A_65 = arith.constant 4.000000e-01 : f32
    %ge3A_66 = vector.broadcast %ge3A_65 : f32 to vector<40x128xf32>
    %ge3A_67 = arith.cmpf oge, %select_n3A_23, %ge3A_66 : vector<40x128xf32>
    %and3A_68 = arith.andi %reduce_or3A_64, %ge3A_67 : vector<40x128xi1>
    %and3A_69 = arith.andi %and3A_68, %ne3A_6 : vector<40x128xi1>
    %ge3A_70 = arith.constant 0 : i32
    %ge3A_71 = vector.broadcast %ge3A_70 : i32 to vector<40x128xi32>
    %ge3A_72 = arith.cmpi sge, %select_n3A_52, %ge3A_71 : vector<40x128xi32>
    %lt3A_73 = arith.constant 3.000000e-01 : f32
    %lt3A_74 = vector.broadcast %lt3A_73 : f32 to vector<40x128xf32>
    %lt3A_75 = arith.cmpf olt, %select_n3A_23, %lt3A_74 : vector<40x128xf32>
    %and3A_76 = arith.andi %ge3A_72, %lt3A_75 : vector<40x128xi1>
    %and3A_77 = arith.andi %and3A_76, %ne3A_6 : vector<40x128xi1>
    %jit3A = arith.constant -1 : i32
    %broadcast_in_dim3A_78 = vector.broadcast %jit3A : i32 to vector<40x128xi32>
    %select_n3A_79 = arith.select %and3A_77, %broadcast_in_dim3A_78, %select_n3A_52 : vector<40x128xi1>, vector<40x128xi32>
    %convert_element_type3A_80 = arith.extui %ne3A_6 : vector<40x128xi1> to vector<40x128xi32>
    %convert_element_type3A_81 = arith.sitofp %convert_element_type3A_80 : vector<40x128xi32> to vector<40x128xf32>
    %get3A_82 = arith.constant 0 : index
    %get3A_83 = arith.constant 0 : index
    %get3A_84 = vector.load %arg0[%get3A_82, %get3A_83] : memref<40x128xf32, #tpu.memory_space<vmem>>, vector<40x128xf32>
    %mul3A = arith.mulf %get3A_84, %convert_element_type3A_81 : vector<40x128xf32>
    %swap3A = arith.constant 0 : index
    %swap3A_85 = arith.constant 0 : index
    %swap3A_86 = vector.load %arg10[%swap3A, %swap3A_85] : memref<40x128xf32, #tpu.memory_space<vmem>>, vector<40x128xf32>
    tpu.vector_store %arg10[%swap3A, %swap3A_85], %mul3A {strides = array<i32>} : memref<40x128xf32, #tpu.memory_space<vmem>>, vector<40x128xf32>,
    %get3A_87 = arith.constant 0 : index
    %get3A_88 = arith.constant 0 : index
    %get3A_89 = vector.load %arg1[%get3A_87, %get3A_88] : memref<40x128xf32, #tpu.memory_space<vmem>>, vector<40x128xf32>
    %mul3A_90 = arith.mulf %get3A_89, %convert_element_type3A_81 : vector<40x128xf32>
    %swap3A_91 = arith.constant 0 : index
    %swap3A_92 = arith.constant 0 : index
    %swap3A_93 = vector.load %arg11[%swap3A_91, %swap3A_92] : memref<40x128xf32, #tpu.memory_space<vmem>>, vector<40x128xf32>
    tpu.vector_store %arg11[%swap3A_91, %swap3A_92], %mul3A_90 {strides = array<i32>} : memref<40x128xf32, #tpu.memory_space<vmem>>, vector<40x128xf32>,
    %get3A_94 = arith.constant 0 : index
    %get3A_95 = arith.constant 0 : index
    %get3A_96 = vector.load %arg2[%get3A_94, %get3A_95] : memref<40x128xf32, #tpu.memory_space<vmem>>, vector<40x128xf32>
    %mul3A_97 = arith.mulf %get3A_96, %convert_element_type3A_81 : vector<40x128xf32>
    %swap3A_98 = arith.constant 0 : index
    %swap3A_99 = arith.constant 0 : index
    %swap3A_100 = vector.load %arg12[%swap3A_98, %swap3A_99] : memref<40x128xf32, #tpu.memory_space<vmem>>, vector<40x128xf32>
    tpu.vector_store %arg12[%swap3A_98, %swap3A_99], %mul3A_97 {strides = array<i32>} : memref<40x128xf32, #tpu.memory_space<vmem>>, vector<40x128xf32>,
    %get3A_101 = arith.constant 0 : index
    %get3A_102 = arith.constant 0 : index
    %get3A_103 = vector.load %arg3[%get3A_101, %get3A_102] : memref<40x128xf32, #tpu.memory_space<vmem>>, vector<40x128xf32>
    %mul3A_104 = arith.mulf %get3A_103, %convert_element_type3A_81 : vector<40x128xf32>
    %swap3A_105 = arith.constant 0 : index
    %swap3A_106 = arith.constant 0 : index
    %swap3A_107 = vector.load %arg13[%swap3A_105, %swap3A_106] : memref<40x128xf32, #tpu.memory_space<vmem>>, vector<40x128xf32>
    tpu.vector_store %arg13[%swap3A_105, %swap3A_106], %mul3A_104 {strides = array<i32>} : memref<40x128xf32, #tpu.memory_space<vmem>>, vector<40x128xf32>,
    %mul3A_108 = arith.mulf %select_n3A_23, %convert_element_type3A_81 : vector<40x128xf32>
    %swap3A_109 = arith.constant 0 : index
    %swap3A_110 = arith.constant 0 : index
    %swap3A_111 = vector.load %arg14[%swap3A_109, %swap3A_110] : memref<40x128xf32, #tpu.memory_space<vmem>>, vector<40x128xf32>
    tpu.vector_store %arg14[%swap3A_109, %swap3A_110], %mul3A_108 {strides = array<i32>} : memref<40x128xf32, #tpu.memory_space<vmem>>, vector<40x128xf32>,
    %swap3A_112 = arith.constant 0 : index
    %swap3A_113 = arith.constant 0 : index
    %swap3A_114 = vector.load %arg15[%swap3A_112, %swap3A_113] : memref<40x128xi32, #tpu.memory_space<vmem>>, vector<40x128xi32>
    tpu.vector_store %arg15[%swap3A_112, %swap3A_113], %select_n3A_79 {strides = array<i32>} : memref<40x128xi32, #tpu.memory_space<vmem>>, vector<40x128xi32>,
    %swap3A_115 = arith.constant 0 : index
    %swap3A_116 = arith.constant 0 : index
    %swap3A_117 = vector.load %arg16[%swap3A_115, %swap3A_116] : memref<40x128xi32, #tpu.memory_space<vmem>>, vector<40x128xi32>
    %swap3A_118 = arith.extui %and3A_69 : vector<40x128xi1> to vector<40x128xi32>
    %swap3A_119 = arith.constant dense<0> : vector<40x128xi32>
    %swap3A_120 = arith.cmpi ne, %swap3A_117, %swap3A_119 : vector<40x128xi32>
    tpu.vector_store %arg16[%swap3A_115, %swap3A_116], %swap3A_118 {strides = array<i32>} : memref<40x128xi32, #tpu.memory_space<vmem>>, vector<40x128xi32>,
    return
  }
}

</mosaic_0001>

<sc_bundles>
// kernel: kernel.6.cloned.1.call-start
scs
__scs_entry_jumppad:
0x0: {  	(pc) =	sbr.rel $0x88, $3  }
0x1: {  	(tag) =	ssettag $0x0;
	lr =	simm.s32 $0x1  }
0x2: {  	[smem:$0x3F9C] =	sst lr;
	_ =	strace $0xD0000000  }
0x3: {  	_ = 	snop  }
0x4: {  	_ = 	snop  }
0x5: {  	_ = 	snop  }
0x6: {  	_ = 	snop  }
0x7: {  	_ = 	snop  }
__scs_overlays_trampoline_lowered:
0x8: {  	[smem:$0x3FAB] =	sst s0  }
0x9: {  	[smem:$0x3FAC] =	sst s1  }
0xa: {  	[smem:$0x3FAD] =	sst s2  }
0xb: {  	[smem:$0x3FAE] =	sst s3  }
0xc: {  	[smem:$0x3FAF] =	sst s4  }
0xd: {  	[smem:$0x3FB0] =	sst s5  }
0xe: {  	[smem:$0x3FB1] =	sst s6  }
0xf: {  	[smem:$0x3FB2] =	sst s7  }
0x10: {  	[smem:$0x3FB3] =	sst s8  }
0x11: {  	[smem:$0x3FB4] =	sst s9;
	s0 =	simm.s32 @!p0 $0x0  }
0x12: {  	s1 =	sld [smem:$0x3F9A];
	s0 =	simm.s32 @p0 $0x1  }
0x13: {  	[smem:$0x3FB5] =	sst s0;
	s0 =	simm.s32 @!p1 $0x0  }
0x14: {  	s2 =	sld [smem:$0x3F99];
	s0 =	simm.s32 @p1 $0x1  }
0x15: {  	[smem:$0x3FB6] =	sst s0;
	s0 =	simm.s32 @!p2 $0x0  }
0x16: {  	s3 =	sld [smem:$0x3FDB];
	s0 =	simm.s32 @p2 $0x1  }
0x17: {  	s4 =	simm.s32 $0x1BF5;
	[smem:$0x3FB8] =	sst s0  }
0x18: {  	s0 =	sld [smem:$0x3F9B];
	_ =	swait.ge [sflag:s4], $0x0  }
0x19: {  	s7 =	sld [smem:$0x3F9C]  }
0x1a: {  	s8 =	sadd.s32 $0xFFFFE003, lr  }
0x1b: {  	s9 =	sadd.s32 $0xFFFFFEF7, lr;
	s5 =	simm.s32 $0xFFFFFFFF;
	p2 =	slt.u32 s8, $0xFFFFF086  }
0x1c: {  	p1 =	slt.u32 s9, $0xF7A;
	s5 =	simm.s32 @!p2 $0x0  }
0x1d: {  	s5 =	simm.s32 @p1 $0x1;
	p0 =	seq.s32 s7, s2  }
0x1e: {  	s7 =	smul.u32 @!p0 $0xF7A, s2;
	p2 =	seq.s32 @!p0 s5, $0x0  }
0x1f: {  	s9 =	smul.u32 $0xF7A, s1;
	s8 =	simm.s32 @!p0 $0x1BF5;
	p2 =	por !p2, p0  }
0x20: {  	[sflag:s8] =	ssyncset.s32 @!p0 $0xFFFFF086;
	s6 =	sadd.s32 @!p0 s3, s7;
	s7 =	simm.s32 @!p0 $0x108  }
0x21: {  	s3 =	sadd.s32 s3, s9;
	s6 =	sadd.s32 @!p0 $0x88, s6;
	s7 =	simm.s32 @p2 $0x1082  }
0x22: {  	[simem:s7], [sflag:s8] =	dma.local @!p0 [hbm:s6], $0xF7A  }
0x23: {  	s9 =	sor.u32 $0xD0000000, s2;
	s6 =	simm.s32 $0x108;
	_ =	swait.ge @!p0 [sflag:s8], $0x0  }
0x24: {  	s3 =	sadd.s32 $0x88, s3;
	s6 =	simm.s32 @!p1 $0x1082;
	[sflag:s4] =	ssyncset.s32 $0xFFFFF086  }
0x25: {  	[simem:s6], [sflag:s4] =	dma.local [hbm:s3], $0xF7A  }
0x26: {  	[smem:$0x3F9C] =	sst s1;
	(tag) =	ssettag s2;
	_ =	strace s9  }
0x27: {  	s1 =	sld [smem:$0x3FAC]  }
0x28: {  	s2 =	sld [smem:$0x3FAD]  }
0x29: {  	s4 =	sld [smem:$0x3FAF]  }
0x2a: {  	p0 =	seq.s32 s5, $0x0;
	s5 =	sld [smem:$0x3FB0]  }
0x2b: {  	s6 =	sld [smem:$0x3FB1]  }
0x2c: {  	s7 =	sld [smem:$0x3FB2]  }
0x2d: {  	s3 =	simm.s32 $0x108;
	s8 =	sld [smem:$0x3FB3]  }
0x2e: {  	s3 =	simm.s32 @!p0 $0x1082;
	s9 =	sld [smem:$0x3FB4]  }
0x2f: {  	lr =	sadd.s32 s0, s3;
	s0 =	sld [smem:$0x3FAB]  }
0x30: {  	s3 =	sld [smem:$0x3FAE]  }
0x31: {  	[smem:$0x3FB7] =	sst s10  }
0x32: {  	s10 =	sld [smem:$0x3FB5];
	_ =	sdelay $0x3  }
0x33: {  	p0 =	seq.s32 s10, $0x1;
	s10 =	sld [smem:$0x3FB7];
	_ =	sdelay $0x3  }
0x34: {  	[smem:$0x3FB7] =	sst s10  }
0x35: {  	s10 =	sld [smem:$0x3FB6];
	_ =	sdelay $0x3  }
0x36: {  	p1 =	seq.s32 s10, $0x1;
	s10 =	sld [smem:$0x3FB7];
	_ =	sdelay $0x3  }
0x37: {  	[smem:$0x3FB7] =	sst s10  }
0x38: {  	s10 =	sld [smem:$0x3FB8]  }
0x39: {  	_ = 	snop;
	(pc) =	sbr.ind lr, $3  }
0x3a: {  	_ = 	snop  }
0x3b: {  	_ = 	snop  }
0x3c: {  	p2 =	seq.s32 s10, $0x1;
	s10 =	sld [smem:$0x3FB7]  }
0x3d: {  	_ =	shalt  }
0x3e: {  	_ =	shalt  }
0x3f: {  	_ =	shalt  }
0x40: {  	_ =	shalt  }
0x41: {  	_ =	shalt  }
0x42: {  	_ =	shalt  }
0x43: {  	_ =	shalt  }
0x44: {  	_ =	shalt  }
0x45: {  	_ =	shalt  }
0x46: {  	_ =	shalt  }
0x47: {  	_ =	shalt  }
0x48: {  	_ =	shalt  }
0x49: {  	_ =	shalt  }
0x4a: {  	_ =	shalt  }
0x4b: {  	_ =	shalt  }
0x4c: {  	_ =	shalt  }
0x4d: {  	_ =	shalt  }
0x4e: {  	_ =	shalt  }
0x4f: {  	_ =	shalt  }
0x50: {  	_ =	shalt  }
0x51: {  	_ =	shalt  }
0x52: {  	_ =	shalt  }
0x53: {  	_ =	shalt  }
0x54: {  	_ =	shalt  }
0x55: {  	_ =	shalt  }
0x56: {  	_ =	shalt  }
0x57: {  	_ =	shalt  }
0x58: {  	_ =	shalt  }
0x59: {  	_ =	shalt  }
0x5a: {  	_ =	shalt  }
0x5b: {  	_ =	shalt  }
0x5c: {  	_ =	shalt  }
0x5d: {  	_ =	shalt  }
0x5e: {  	_ =	shalt  }
0x5f: {  	_ =	shalt  }
0x60: {  	_ =	shalt  }
0x61: {  	_ =	shalt  }
0x62: {  	_ =	shalt  }
0x63: {  	_ =	shalt  }
0x64: {  	_ =	shalt  }
0x65: {  	_ =	shalt  }
0x66: {  	_ =	shalt  }
0x67: {  	_ =	shalt  }
0x68: {  	_ =	shalt  }
0x69: {  	_ =	shalt  }
0x6a: {  	_ =	shalt  }
0x6b: {  	_ =	shalt  }
0x6c: {  	_ =	shalt  }
0x6d: {  	_ =	shalt  }
0x6e: {  	_ =	shalt  }
0x6f: {  	_ =	shalt  }
0x70: {  	_ =	shalt  }
0x71: {  	_ =	shalt  }
0x72: {  	_ =	shalt  }
0x73: {  	_ =	shalt  }
0x74: {  	_ =	shalt  }
0x75: {  	_ =	shalt  }
0x76: {  	_ =	shalt  }
0x77: {  	_ =	shalt  }
0x78: {  	_ =	shalt  }
0x79: {  	_ =	shalt  }
0x7a: {  	_ =	shalt  }
0x7b: {  	_ =	shalt  }
0x7c: {  	_ =	shalt  }
0x7d: {  	_ =	shalt  }
0x7e: {  	_ =	shalt  }
0x7f: {  	_ =	shalt  }
0x80: {  	_ =	shalt  }
0x81: {  	_ =	shalt  }
0x82: {  	_ =	shalt  }
0x83: {  	_ =	shalt  }
0x84: {  	_ =	shalt  }
0x85: {  	_ =	shalt  }
0x86: {  	_ =	shalt  }
0x87: {  	_ =	shalt  }
.Lfunc_end0:
.L_simem_size_0:
called_computation_lowered:
.L_overlay_start_0:
0x88: {  	s0 =	sld [smem:$0x3FD9]  }
0x89: {  	s1 =	sld [smem:$0x3FFE];
	_ =	sdelay $0x3  }
0x8a: {  	s0 =	sadd.s32 s1, s0  }
0x8b: {  	[smem:$0x3FC3] =	sst s0  }
0x8c: {  	_ = 	snop  }
0x8d: {  	s0 =	sld [smem:$0x3FD0];
	_ =	sdelay $0x2  }
0x8e: {  	s13 =	simm.s32 $0xA;
	s2 =	simm.s32 $0x10  }
0x8f: {  	[smem:s2], [sflag:s13] =	dma.local [hbm:s0], $0x1  }
0x90: {  	_ =	swait.eq [sflag:s13], $0x1  }
0x91: {  	[sflag:s13] =	ssyncset.done $0x0  }
0x92: {  	s14 =	sld [smem:$0x10];
	[sflag:s13] =	ssyncadd.s32 $0xFFFFFFFF  }
0x93: {  	s15 =	sld [smem:$0x11];
	(tm) =	ssettm $0x1  }
0x94: {  	s16 =	sld [smem:$0x3FFB];
	_ =	sdelay $0x3  }
0x95: {  	_ =	strace s16  }
0x96: {  	s2 =	sld [smem:$0x3FFC];
	_ =	sdelay $0x3  }
0x97: {  	_ =	strace s2  }
0x98: {  	s2 =	sld [smem:$0x3FFD];
	_ =	sdelay $0x3  }
0x99: {  	_ =	strace s2  }
0x9a: {  	_ =	strace $0x8FFFFFFF  }
0x9b: {  	s17 =	sld [smem:$0x3FDB];
	_ =	sdelay $0x1  }
0x9c: {  	s3 =	simm.s32 $_scs_section_size  }
0x9d: {  	s4 =	simm.s32 $_size__tile_overlayer_lowered;
	s5 =	simm.s32 $_tile_overlayer_lowered  }
0x9e: {  	s20 =	simm.s32 $0x1BFF;
	s19 =	sshll.u32 s5, $0x1;
	s2 =	sadd.s32 s3, s17  }
0x9f: {  	s6 =	simm.s32 $0x0;
	s18 =	sshll.u32 s4, $0x1;
	s4 =	sadd.s32 s19, s2  }
0xa0: {  	[timem:s6], [sflag:s20] =	dma.local [hbm:s4], s18  }
0xa1: {  	_ =	swait.ge [sflag:s20], s18  }
0xa2: {  	s3 =	ssub.s32 $0x0, s18;
	[sflag:s20] =	ssyncset.done $0x0  }
0xa3: {  	[sflag:s20] =	ssyncadd.s32 s3;
	_ =	sdelay $0x1  }
0xa4: {  	s21 =	simm.s32 $0x1B8B  }
0xa5: {  	_ =	swait.ge [sflag:s21], $0x1  }
0xa6: {  	[sflag:s21] =	ssyncset.done $0x0  }
0xa7: {  	s23 =	simm.s32 $0x1B8E;
	s22 =	sld [smem:$0x3FFE];
	[sflag:s21] =	ssyncadd.s32 $0xFFFFFFFF  }
0xa8: {  	s24 =	simm.s32 $execute0_lowered;
	[smem:$0x3FD2] =	sst s23  }
0xa9: {  	s4 =	sshll.u32 s24, $0x1;
	_ =	strace $0x80000046;
	[dreg:$0x1] =	wrdreg $0xFFFFFFFF  }
0xaa: {  	s25 =	simm.s32 $_size_execute0_lowered;
	s2 =	sadd.s32 s2, s4;
	[dreg:$0x0] =	wrdreg $0x0  }
0xab: {  	s4 =	sshll.u32 s25, $0x1;
	[dreg:$0x2] =	wrdreg s2  }
0xac: {  	[dreg:$0x3] =	wrdreg s4  }
0xad: {  	[dreg:$0x4] =	wrdreg $0xC0  }
0xae: {  	_ =	task [dreg:s6], $0x5FFFF  }
0xaf: {  	[dreg:$0x1] =	wrdreg $0xFFFFFFFF  }
0xb0: {  	[dreg:$0x0] =	wrdreg $0x60  }
0xb1: {  	[dreg:$0x2] =	wrdreg s15  }
0xb2: {  	[dreg:$0x3] =	wrdreg s14  }
0xb3: {  	[dreg:$0x4] =	wrdreg s22  }
0xb4: {  	[dreg:$0x5] =	wrdreg $0x9  }
0xb5: {  	_ =	task.clear_ibuf [dreg:s6], $0x6FFFF;
	_ =	strace $0x90000046  }
0xb6: {  	s26 =	simm.s32 $0x9;
	_ =	strace $0x80000048  }
0xb7: {  	_ =	swait.ge [sflag:s26], $0x1  }
0xb8: {  	[sflag:s26] =	ssyncadd.s32 $0xFFFFFFFF  }
0xb9: {  	_ =	strace $0x90000048  }
0xba: {  	_ =	sfence  }
0xbb: {  	s28 =	sld [smem:$0x0];
	_ =	sdelay $0x1  }
0xbc: {  	s29 =	srdreg.scid  }
0xbd: {  	s30 =	sshll.u32 s29, $0xD;
	s31 =	sshrl.u32 s29, $0x2  }
0xbe: {  	s1 =	sand.u32 $0x1, s29;
	s2 =	sand.u32 $0x4000, s30;
	s0 =	sadd.s32 s31, s28  }
0xbf: {  	s1 =	sor.u32 s2, s1;
	s0 =	sshll.u32 s0, $0x11  }
0xc0: {  	s0 =	sor.u32 s0, s1  }
0xc1: {  	s0 =	sadd.s32 $0x8F2B, s0  }
0xc2: {  	[sflag:s0] =	ssyncadd.remote.s32 $0x1  }
0xc3: {  	_ =	sfence.sel $0xFFFF  }
0xc4: {  	[dreg:$0x0] =	wrdreg $0xFFFFFFFF;
	(pc) =	sbr.abs _section_cstart, $3  }
0xc5: {  	[dreg:$0x1] =	wrdreg $0xFFFFFFFF  }
0xc6: {  	_ =	task.clear_ibuf [dreg:s6], $0x2FFFF;
	_ =	strace $0x9FFFFFFF  }
0xc7: {  	(tm) =	ssettm $0x7FFFFFFF  }
tec
execute0_lowered:
.L_overlay_start_1:
0x0: {  	(tag) =	ssettag $0x1  }
0x1: {  	s0 =	rddreg [dreg:$0x0]  }
0x2: {  	s1 =	rddreg [dreg:$0x1]  }
0x3: {  	s2 =	rddreg [dreg:$0x2];
	s3 =	stileid.u32  }
0x4: {  	s4 =	rddreg [dreg:$0x3];
	s5 =	simm.s32 $0x0;
	s6 =	smul.u32 $0x28, s3  }
0x5: {  	s7 =	simm.s32 $0x180;
	[smem:$0x7FF] =	sst s5  }
0x6: {  	s29 =	simm.s32 $0x2;
	_ =	strace $0x80000047;
	s1 =	sadd.s32 s1, s6  }
0x7: {  	[tilespmem:s7], [sflag:$0x2] =	stream.linear.gather [hbm4b:s1+s5], $0x140, $0x38;
	[tilespmem:$0x300] =	vst v63  }
0x8: {  	_ =	swait.ge [sflag:s29], $0x140  }
0x9: {  	[sflag:s29] =	ssyncset.done $0x0  }
0xa: {  	s0 =	sadd.s32 s0, s6;
	[sflag:s29] =	ssyncadd.s32 $0xFFFFFEC0  }
0xb: {  	[tilespmem:s5], [sflag:$0x2] =	stream.linear.gather [hbm4b:s0+s5], $0x140, $0x38;
	[tilespmem:$0x300] =	vst v63  }
0xc: {  	_ =	swait.ge [sflag:s29], $0x140  }
0xd: {  	[sflag:s29] =	ssyncset.done $0x0  }
0xe: {  	s30 =	simm.s32 $0x140;
	s31 =	simm.s32 $0x1;
	[sflag:s29] =	ssyncadd.s32 $0xFFFFFEC0  }
0xf: {  	[hbm4b:s2+s30] =	stream.indirect.scatter [tilespmem:s5], [sflag:$0x1], $0x1, s7, s30, $0xb8;
	[tilespmem:$0x300] =	vst v63  }
0x10: {  	_ =	swait.ge [sflag:s31], $0x140  }
0x11: {  	[sflag:s31] =	ssyncset.done $0x0  }
0x12: {  	[sflag:s31] =	ssyncadd.s32 $0xFFFFFEC0  }
0x13: {  	_ =	sfence.sel $0x180000  }
0x14: {  	[bflag:$0x0] =	sbarrier.arrive $0xFFFF  }
0x15: {  	p0 =	sne.s32 s3, $0x0;
	_ =	strace $0x90000047  }
0x16: {  	s0 =	sadd.s32 @!p0 $0x100000, s4;
	[bflag:$0x2] =	sbarrier.arrive $0xFFFF  }
0x17: {  	[sflag:s0] =	ssyncadd.tile.s32 @!p0 $0x1;
	_ =	shalt  }
.Lfunc_end2:
_tile_overlayer_lowered:
.L_overlay_start_2:
0x18: {  	(tag) =	ssettag $0x2  }
0x19: {  	s0 =	rddreg [dreg:$0x0];
	s2 =	stileid.u32  }
0x1a: {  	s1 =	rddreg [dreg:$0x1];
	p0 =	sne.s32 s2, $0x0  }
0x1b: {  	s3 =	rddreg [dreg:$0x2];
	[bflag:$0x3] =	sbarrier.arrive $0xFFFF;
	s2 =	simm.s32 @!p0 $0x1C02  }
0x1c: {  	[timem:s3], [sflag:s2] =	dma.local @!p0 [hbm:s0], s1  }
0x1d: {  	s0 =	simm.s32 @!p0 $0x2  }
0x1e: {  	_ =	swait.ge @!p0 [sflag:s0], s1  }
0x1f: {  	s1 =	ssub.s32 @!p0 $0x0, s1;
	[sflag:s0] =	ssyncset.done @!p0 $0x0  }
0x20: {  	[sflag:s0] =	ssyncadd.s32 @!p0 s1  }
0x21: {  	[bflag:$0x3] =	sbarrier.arrive $0xFFFF  }
0x22: {  	_ =	shalt  }

</sc_bundles>
